<compile_context>
chip_gen: v7x
topology: tpu7x:2x2x1
jax: 0.10.2.dev20260603
libtpu: 0.0.44.dev20260713+nightly
codegen_flags: <defaults>
</compile_context>

<pallas_src>
import functools

import jax
import jax.numpy as jnp
from jax import lax
from jax.experimental import pallas as pl
from jax.experimental.pallas import tpu as pltpu
from jax.experimental.pallas import tpu_sc as plsc

B, T, L, C = 16, 4096, 31, 32
ROWS = B * T
NW = 32
WCHUNK = ROWS // NW
KV = WCHUNK // 16


def _prep_body(arestT_ref, astart_ref, tab_ref, astartn_ref):
    at = arestT_ref[...]
    m0 = jnp.max(at, axis=0, keepdims=True)
    rowlse = m0 + jnp.log(jnp.sum(jnp.exp(at - m0), axis=0, keepdims=True))
    tab_ref[...] = at - rowlse

    astart = astart_ref[...]
    ii = lax.broadcasted_iota(jnp.int32, (1, C), 1)
    a = jnp.where(ii < L, astart, -1e30)
    am = jnp.max(a)
    s_lse = am + jnp.log(jnp.sum(jnp.exp(a - am)))
    astartn_ref[...] = a - s_lse


def _dense_body(x_ref, out_ref):
    pid = pl.program_id(0)
    nb = T * C // 128
    x = x_ref[...]
    e = jnp.exp(x)
    ii = lax.broadcasted_iota(jnp.int32, (128, 128), 0) // C
    jj = lax.broadcasted_iota(jnp.int32, (128, 128), 1) // C
    p = (ii == jj).astype(jnp.bfloat16)
    s = jnp.dot(e.astype(jnp.bfloat16), p,
                preferred_element_type=jnp.float32)
    part = -jnp.sum(jnp.log(s)) * (1.0 / C)

    for q in (1, 2):
        el = e[q * nb - 1:q * nb, 3 * C:]
        s32 = jnp.sum(el)
        s31 = s32 - jnp.sum(el[:, C - 1:C])
        part += jnp.log(s32) - jnp.log(s31)

    @pl.when(pid == 0)
    def _init():
        out_ref[...] = jnp.reshape(part, (1, 1))

    @pl.when(pid != 0)
    def _acc():
        out_ref[...] += jnp.reshape(part, (1, 1))


def _sc_make():
    mesh = plsc.VectorSubcoreMesh(core_axis_name="c", subcore_axis_name="s")

    @functools.partial(
        pl.kernel,
        mesh=mesh,
        out_type=jax.ShapeDtypeStruct((NW, 16), jnp.float32),
        compiler_params=pltpu.CompilerParams(needs_layout_passes=False),
        scratch_types=[
            pltpu.VMEM((WCHUNK + 16,), jnp.int32),
            pltpu.VMEM((16,), jnp.int32),
            pltpu.VMEM((WCHUNK * C // 128, 128), jnp.float32),
            pltpu.VMEM((C, C), jnp.float32),
            pltpu.VMEM((1, C), jnp.float32),
            pltpu.VMEM((16,), jnp.float32),
        ],
    )
    def sc(lab_hbm, x3_hbm, tab_hbm, astartn_hbm, out_hbm,
           lab_v, lab2_v, xr_v, tab_v, astart_v, acc_v):
        cid = lax.axis_index("c")
        sid = lax.axis_index("s")
        wid = sid * 2 + cid
        b = wid // 2
        half = wid % 2
        t0 = half * WCHUNK

        pltpu.sync_copy(lab_hbm.at[pl.ds(b * T + t0, WCHUNK)],
                        lab_v.at[pl.ds(0, WCHUNK)])
        pltpu.sync_copy(tab_hbm, tab_v)
        pltpu.sync_copy(astartn_hbm, astart_v)

        @pl.when(half == 0)
        def _ext():
            pltpu.sync_copy(lab_hbm.at[pl.ds(b * T + WCHUNK, 16)], lab2_v)

        lane = lax.iota(jnp.int32, 16)
        zero16 = jnp.zeros((16,), jnp.int32)
        ext_vec = plsc.load_gather(lab2_v, [zero16])
        nrow = WCHUNK * C // 128

        pltpu.sync_copy(x3_hbm.at[pl.ds(wid * nrow, nrow), :], xr_v)

        def body(k, acc):
            p = k * 16 + lane
            l = lab_v[pl.ds(k * 16, 16)]
            nx_raw = lab_v[pl.ds(k * 16 + 1, 16)]
            lastlane = jnp.logical_and(lane == 15, k == KV - 1)
            nx = jnp.where(lastlane,
                           jnp.where(half == 0, ext_vec, L),
                           nx_raw)
            el = plsc.load_gather(xr_v, [p >> 2, ((p & 3) << 5) + l])
            tr = plsc.load_gather(tab_v, [nx, l])
            return acc + el + tr

        acc = lax.fori_loop(0, KV, body, jnp.zeros((16,), jnp.float32))

        l0v = plsc.load_gather(lab_v, [zero16])
        g0 = plsc.load_gather(astart_v, [zero16, l0v])
        takes0 = jnp.logical_and(lane == 0, half == 0)
        acc_v[...] = acc + jnp.where(takes0, g0, jnp.zeros((16,), jnp.float32))

        pltpu.sync_copy(acc_v, out_hbm.at[wid])

    return sc


_sc_kernel = _sc_make()


def kernel(log_probs, input_lens, labels, A_scores):
    del input_lens
    arestT = jnp.concatenate(
        [A_scores[L:].reshape(L, C), jnp.zeros((1, C), jnp.float32)],
        axis=0).T
    astart_raw = A_scores[:C].reshape(1, C)

    tabT, astartn = pl.pallas_call(
        _prep_body,
        in_specs=[
            pl.BlockSpec((C, C), lambda: (0, 0)),
            pl.BlockSpec((1, C), lambda: (0, 0)),
        ],
        out_specs=[
            pl.BlockSpec((C, C), lambda: (0, 0)),
            pl.BlockSpec((1, C), lambda: (0, 0)),
        ],
        out_shape=[
            jax.ShapeDtypeStruct((C, C), jnp.float32),
            jax.ShapeDtypeStruct((1, C), jnp.float32),
        ],
    )(arestT, astart_raw)

    x3 = log_probs.reshape(ROWS * C // 128, 128)
    s_tc = pl.pallas_call(
        _dense_body,
        grid=(B // 2,),
        in_specs=[pl.BlockSpec((2 * T * C // 128, 128), lambda i: (i, 0))],
        out_specs=pl.BlockSpec((1, 1), lambda i: (0, 0)),
        out_shape=jax.ShapeDtypeStruct((1, 1), jnp.float32),
    )(x3)

    sc_parts = _sc_kernel(labels.reshape(ROWS), x3, tabT, astartn)
    return (s_tc[0, 0] + jnp.sum(sc_parts)) / float(ROWS)

# --- scband reference (transcript-rebuilt; emitter-appended) ---
"""Pipeline reference for scband-crfloss-61795989454922 (READ-ONLY COPY).

The authoritative reference and input builder live on the scoring server;
editing this copy changes nothing except your own understanding.
"""

import jax, jax.numpy as jnp
import numpy as np

B, T = 16, 4096
L = 31          # number of classes (label_set)
C = L + 1       # plus shared 'I-' symbol at index L


def setup_inputs(seed: int = 0) -> dict:
    key = jax.random.key(seed)
    k1, k2, k3, k4 = jax.random.split(key, 4)
    log_probs = jax.random.normal(k1, (B, T, C), dtype=jnp.float32)
    input_lens = jax.random.randint(k2, (B,), 0, T)
    labels = jax.random.randint(k3, (B, T), 0, L)
    # learnable bigram-LM arc scores: state0 -> L arcs; each of L states -> (L+1) arcs (L transitions + final)
    A_scores = jax.random.normal(k4, (L + L * (L + 1),), dtype=jnp.float32)
    return {"log_probs": log_probs, "input_lens": input_lens, "labels": labels, "A_scores": A_scores}


def _crf_loss(log_probs, A_scores, labels):
    Bb, Tt, Cc = log_probs.shape
    Lc = Cc - 1
    # set_scores_stochastic_: per-state log-softmax over outgoing arcs of bigram LM A
    log_start = jax.nn.log_softmax(A_scores[:Lc])                 # state 0 -> class j
    rest = jax.nn.log_softmax(A_scores[Lc:].reshape(Lc, Lc + 1), axis=1)
    log_trans = rest[:, :Lc]                                       # class i -> class j
    log_final = rest[:, Lc]                                        # class i -> final (-1 arc)
    # --- numerator: intersect(A, linear_fsa(labels)) composed with dense posteriors ---
    emis = jnp.take_along_axis(log_probs, labels[..., None], axis=2)[..., 0]   # [B, T]
    num = (emis.sum(axis=1)
           + log_start[labels[:, 0]]
           + log_trans[labels[:, :-1], labels[:, 1:]].sum(axis=1)
           + log_final[labels[:, -1]])
    # --- denominator: intersect_dense with shared-'I-' IE topology (2 live states, final from state 0) ---
    lse_class = jax.nn.logsumexp(log_probs[..., :Lc], axis=-1)     # any class label, score 0 arcs
    lp_I = log_probs[..., Lc]                                      # shared 'I-' label
    def step(alpha, x):
        a0, a1 = alpha
        cls, ii = x
        m = jnp.logaddexp(a0, a1)
        return (m + cls, m + ii), None
    init = (jnp.zeros((Bb,), dtype=jnp.float32), jnp.full((Bb,), -1e30, dtype=jnp.float32))
    (a0, a1), _ = jax.lax.scan(step, init, (lse_class.T, lp_I.T))
    den = a0                                                       # must end in state 0 (final arc)
    num_tokens = Bb * Tt                                           # (labels != ignore_index).sum(); no padding here
    return (num - den).sum() / num_tokens


def reference(log_probs, input_lens, labels, A_scores):
    # input_lens is accepted but unused, matching the original forward
    return _crf_loss(log_probs, A_scores, labels)

if __name__ == "__main__":
    import jax
    _d = setup_inputs()
    print(jax.jit(kernel)(*tuple(_d.values())))

</pallas_src>

<mosaic_0001>
#map = affine_map<(d0, d1) -> (0)>
#map1 = affine_map<(d0, d1) -> (0, 0)>
module attributes {stable_mosaic.version = 14 : i64} {
  func.func @sc(%arg0: i32, %arg1: i32, %arg2: memref<65536xi32, #tpu.memory_space<hbm>>, %arg3: memref<16384x128xf32, #tpu.memory_space<hbm>>, %arg4: memref<32x32xf32, #tpu.memory_space<hbm>>, %arg5: memref<1x32xf32, #tpu.memory_space<hbm>>, %arg6: memref<32x16xf32, #tpu.memory_space<hbm>>, %arg7: memref<2064xi32, #tpu.memory_space<vmem>>, %arg8: memref<16xi32, #tpu.memory_space<vmem>>, %arg9: memref<512x128xf32, #tpu.memory_space<vmem>>, %arg10: memref<32x32xf32, #tpu.memory_space<vmem>>, %arg11: memref<1x32xf32, #tpu.memory_space<vmem>>, %arg12: memref<16xf32, #tpu.memory_space<vmem>>) attributes {dimension_semantics = [#tpu.dimension_semantics<core_parallel>, #tpu.dimension_semantics<subcore_parallel>], iteration_bounds = array<i64: 2, 16>, scalar_prefetch = 0 : i64, scratch_operands = 6 : i64, tpu.core_type = #tpu.core_type<sc_vector_subcore>, window_params = [{transform_indices = #map}, {transform_indices = #map1}, {transform_indices = #map1}, {transform_indices = #map1}, {transform_indices = #map1}]} {
    %mul3A = arith.constant 2 : i32
    %mul3A_0 = arith.muli %arg1, %mul3A : i32
    %add3A = arith.addi %mul3A_0, %arg0 : i32
    %jit3A = arith.constant 2 : i32
    %div3A = arith.divsi %add3A, %jit3A : i32
    %sign3A = arith.constant 0 : i32
    %sign3A_1 = arith.cmpi sgt, %add3A, %sign3A : i32
    %sign3A_2 = arith.extui %sign3A_1 : i1 to i32
    %sign3A_3 = arith.constant 0 : i32
    %sign3A_4 = arith.cmpi slt, %add3A, %sign3A_3 : i32
    %sign3A_5 = arith.extui %sign3A_4 : i1 to i32
    %sign3A_6 = arith.subi %sign3A_2, %sign3A_5 : i32
    %sign3A_7 = arith.constant 0 : i32
    %sign3A_8 = arith.cmpi sgt, %jit3A, %sign3A_7 : i32
    %sign3A_9 = arith.extui %sign3A_8 : i1 to i32
    %sign3A_10 = arith.constant 0 : i32
    %sign3A_11 = arith.cmpi slt, %jit3A, %sign3A_10 : i32
    %sign3A_12 = arith.extui %sign3A_11 : i1 to i32
    %sign3A_13 = arith.subi %sign3A_9, %sign3A_12 : i32
    %ne3A = arith.cmpi ne, %sign3A_6, %sign3A_13 : i32
    %rem3A = arith.remsi %add3A, %jit3A : i32
    %ne3A_14 = arith.constant 0 : i32
    %ne3A_15 = arith.cmpi ne, %rem3A, %ne3A_14 : i32
    %and3A = arith.andi %ne3A, %ne3A_15 : i1
    %sub3A = arith.constant 1 : i32
    %sub3A_16 = arith.subi %div3A, %sub3A : i32
    %select_n3A = arith.select %and3A, %sub3A_16, %div3A : i32
    %jit3A_17 = arith.constant 2 : i32
    %eq3A = arith.constant 0 : i32
    %eq3A_18 = arith.cmpi eq, %jit3A_17, %eq3A : i32
    %jit3A_19 = arith.constant 1 : i32
    %select_n3A_20 = arith.select %eq3A_18, %jit3A_19, %jit3A_17 : i32
    %rem3A_21 = arith.remsi %add3A, %select_n3A_20 : i32
    %ne3A_22 = arith.constant 0 : i32
    %ne3A_23 = arith.cmpi ne, %rem3A_21, %ne3A_22 : i32
    %lt3A = arith.constant 0 : i32
    %lt3A_24 = arith.cmpi slt, %rem3A_21, %lt3A : i32
    %lt3A_25 = arith.constant 0 : i32
    %lt3A_26 = arith.cmpi slt, %select_n3A_20, %lt3A_25 : i32
    %ne3A_27 = arith.xori %lt3A_24, %lt3A_26 : i1
    %and3A_28 = arith.andi %ne3A_27, %ne3A_23 : i1
    %add3A_29 = arith.addi %rem3A_21, %select_n3A_20 : i32
    %select_n3A_30 = arith.select %and3A_28, %add3A_29, %rem3A_21 : i32
    %mul3A_31 = arith.constant 2048 : i32
    %mul3A_32 = arith.muli %select_n3A_30, %mul3A_31 : i32
    %mul3A_33 = arith.constant 4096 : i32
    %mul3A_34 = arith.muli %select_n3A, %mul3A_33 : i32
    %add3A_35 = arith.addi %mul3A_34, %mul3A_32 : i32
    "tpu.region"() ({
      %run_scoped3A = tpu.sem_alloc : memref<!tpu.dma_semaphore, #tpu.memory_space<semaphore_mem>>
      %dma_start3A = arith.constant 0 : i32
      %dma_start3A_63 = tpu.memref_slice %arg7[%dma_start3A] : memref<2064xi32, #tpu.memory_space<vmem>> -> memref<2048xi32, #tpu.memory_space<vmem>>
      %dma_start3A_64 = tpu.memref_slice %arg2[%add3A_35] : memref<65536xi32, #tpu.memory_space<hbm>> -> memref<2048xi32, #tpu.memory_space<hbm>>
      %dma_start3A_65 = arith.constant 0 : i32
      %dma_start3A_66 = tpu.memref_slice %arg7[%dma_start3A_65] : memref<2064xi32, #tpu.memory_space<vmem>> -> memref<2048xi32, #tpu.memory_space<vmem>>
      %dma_start3A_67 = tpu.memref_slice %arg2[%add3A_35] : memref<65536xi32, #tpu.memory_space<hbm>> -> memref<2048xi32, #tpu.memory_space<hbm>>
      tpu.enqueue_dma source(%dma_start3A_67 : memref<2048xi32, #tpu.memory_space<hbm>>) target(%dma_start3A_66 : memref<2048xi32, #tpu.memory_space<vmem>>) target_semaphore(%run_scoped3A : memref<!tpu.dma_semaphore, #tpu.memory_space<semaphore_mem>>)
      %dma_wait3A = arith.constant 0 : i32
      %dma_wait3A_68 = tpu.memref_slice %arg7[%dma_wait3A] : memref<2064xi32, #tpu.memory_space<vmem>> -> memref<2048xi32, #tpu.memory_space<vmem>>
      %dma_wait3A_69 = tpu.memref_slice %arg2[%add3A_35] : memref<65536xi32, #tpu.memory_space<hbm>> -> memref<2048xi32, #tpu.memory_space<hbm>>
      %dma_wait3A_70 = arith.constant 0 : i32
      %dma_wait3A_71 = tpu.memref_slice %arg7[%dma_wait3A_70] : memref<2064xi32, #tpu.memory_space<vmem>> -> memref<2048xi32, #tpu.memory_space<vmem>>
      %dma_wait3A_72 = tpu.memref_slice %arg2[%add3A_35] : memref<65536xi32, #tpu.memory_space<hbm>> -> memref<2048xi32, #tpu.memory_space<hbm>>
      tpu.wait_dma2 semaphore(%run_scoped3A : memref<!tpu.dma_semaphore, #tpu.memory_space<semaphore_mem>>) src(%dma_wait3A_72 : memref<2048xi32, #tpu.memory_space<hbm>>) dst(%dma_wait3A_71 : memref<2048xi32, #tpu.memory_space<vmem>>)
      tpu.yield
    }) : () -> ()
    "tpu.region"() ({
      %run_scoped3A = tpu.sem_alloc : memref<!tpu.dma_semaphore, #tpu.memory_space<semaphore_mem>>
      tpu.enqueue_dma source(%arg4 : memref<32x32xf32, #tpu.memory_space<hbm>>) target(%arg10 : memref<32x32xf32, #tpu.memory_space<vmem>>) target_semaphore(%run_scoped3A : memref<!tpu.dma_semaphore, #tpu.memory_space<semaphore_mem>>)
      tpu.wait_dma2 semaphore(%run_scoped3A : memref<!tpu.dma_semaphore, #tpu.memory_space<semaphore_mem>>) src(%arg4 : memref<32x32xf32, #tpu.memory_space<hbm>>) dst(%arg10 : memref<32x32xf32, #tpu.memory_space<vmem>>)
      tpu.yield
    }) : () -> ()
    "tpu.region"() ({
      %run_scoped3A = tpu.sem_alloc : memref<!tpu.dma_semaphore, #tpu.memory_space<semaphore_mem>>
      tpu.enqueue_dma source(%arg5 : memref<1x32xf32, #tpu.memory_space<hbm>>) target(%arg11 : memref<1x32xf32, #tpu.memory_space<vmem>>) target_semaphore(%run_scoped3A : memref<!tpu.dma_semaphore, #tpu.memory_space<semaphore_mem>>)
      tpu.wait_dma2 semaphore(%run_scoped3A : memref<!tpu.dma_semaphore, #tpu.memory_space<semaphore_mem>>) src(%arg5 : memref<1x32xf32, #tpu.memory_space<hbm>>) dst(%arg11 : memref<1x32xf32, #tpu.memory_space<vmem>>)
      tpu.yield
    }) : () -> ()
    %eq3A_36 = arith.constant 0 : i32
    %eq3A_37 = arith.cmpi eq, %select_n3A_30, %eq3A_36 : i32
    %convert_element_type3A = arith.extui %eq3A_37 : i1 to i32
    %cond3A = arith.constant 0 : i32
    %cond3A_38 = arith.cmpi ne, %convert_element_type3A, %cond3A : i32
    scf.if %cond3A_38 {
      %mul3A_63 = arith.constant 4096 : i32
      %mul3A_64 = arith.muli %select_n3A, %mul3A_63 : i32
      %add3A_65 = arith.constant 2048 : i32
      %add3A_66 = arith.addi %mul3A_64, %add3A_65 : i32
      "tpu.region"() ({
        %run_scoped3A = tpu.sem_alloc : memref<!tpu.dma_semaphore, #tpu.memory_space<semaphore_mem>>
        %dma_start3A = tpu.memref_slice %arg2[%add3A_66] : memref<65536xi32, #tpu.memory_space<hbm>> -> memref<16xi32, #tpu.memory_space<hbm>>
        %dma_start3A_67 = tpu.memref_slice %arg2[%add3A_66] : memref<65536xi32, #tpu.memory_space<hbm>> -> memref<16xi32, #tpu.memory_space<hbm>>
        tpu.enqueue_dma source(%dma_start3A_67 : memref<16xi32, #tpu.memory_space<hbm>>) target(%arg8 : memref<16xi32, #tpu.memory_space<vmem>>) target_semaphore(%run_scoped3A : memref<!tpu.dma_semaphore, #tpu.memory_space<semaphore_mem>>)
        %dma_wait3A = tpu.memref_slice %arg2[%add3A_66] : memref<65536xi32, #tpu.memory_space<hbm>> -> memref<16xi32, #tpu.memory_space<hbm>>
        %dma_wait3A_68 = tpu.memref_slice %arg2[%add3A_66] : memref<65536xi32, #tpu.memory_space<hbm>> -> memref<16xi32, #tpu.memory_space<hbm>>
        tpu.wait_dma2 semaphore(%run_scoped3A : memref<!tpu.dma_semaphore, #tpu.memory_space<semaphore_mem>>) src(%dma_wait3A_68 : memref<16xi32, #tpu.memory_space<hbm>>) dst(%arg8 : memref<16xi32, #tpu.memory_space<vmem>>)
        tpu.yield
      }) : () -> ()
    } else {
    }
    %iota3A = tpu.iota {dimensions = array<i32: 0>} : vector<16xi32>
    %broadcast_in_dim3A = arith.constant 0 : i32
    %broadcast_in_dim3A_39 = vector.broadcast %broadcast_in_dim3A : i32 to vector<16xi32>
    %gather3A = tpu.vector_load_idx %arg8[%broadcast_in_dim3A_39] : memref<16xi32, #tpu.memory_space<vmem>>[vector<16xi32>], vector<16xi32>,
    %mul3A_40 = arith.constant 512 : i32
    %mul3A_41 = arith.muli %add3A, %mul3A_40 : i32
    "tpu.region"() ({
      %run_scoped3A = tpu.sem_alloc : memref<!tpu.dma_semaphore, #tpu.memory_space<semaphore_mem>>
      %dma_start3A = arith.constant 0 : i32
      %dma_start3A_63 = tpu.memref_slice %arg3[%mul3A_41, %dma_start3A] : memref<16384x128xf32, #tpu.memory_space<hbm>> -> memref<512x128xf32, #tpu.memory_space<hbm>>
      %dma_start3A_64 = arith.constant 0 : i32
      %dma_start3A_65 = tpu.memref_slice %arg3[%mul3A_41, %dma_start3A_64] : memref<16384x128xf32, #tpu.memory_space<hbm>> -> memref<512x128xf32, #tpu.memory_space<hbm>>
      tpu.enqueue_dma source(%dma_start3A_65 : memref<512x128xf32, #tpu.memory_space<hbm>>) target(%arg9 : memref<512x128xf32, #tpu.memory_space<vmem>>) target_semaphore(%run_scoped3A : memref<!tpu.dma_semaphore, #tpu.memory_space<semaphore_mem>>)
      %dma_wait3A = arith.constant 0 : i32
      %dma_wait3A_66 = tpu.memref_slice %arg3[%mul3A_41, %dma_wait3A] : memref<16384x128xf32, #tpu.memory_space<hbm>> -> memref<512x128xf32, #tpu.memory_space<hbm>>
      %dma_wait3A_67 = arith.constant 0 : i32
      %dma_wait3A_68 = tpu.memref_slice %arg3[%mul3A_41, %dma_wait3A_67] : memref<16384x128xf32, #tpu.memory_space<hbm>> -> memref<512x128xf32, #tpu.memory_space<hbm>>
      tpu.wait_dma2 semaphore(%run_scoped3A : memref<!tpu.dma_semaphore, #tpu.memory_space<semaphore_mem>>) src(%dma_wait3A_68 : memref<512x128xf32, #tpu.memory_space<hbm>>) dst(%arg9 : memref<512x128xf32, #tpu.memory_space<vmem>>)
      tpu.yield
    }) : () -> ()
    %broadcast_in_dim3A_42 = arith.constant 0.000000e+00 : f32
    %broadcast_in_dim3A_43 = vector.broadcast %broadcast_in_dim3A_42 : f32 to vector<16xf32>
    %scan3A = arith.constant 0 : i32
    %scan3A_44 = arith.constant 128 : i32
    %scan3A_45 = arith.addi %scan3A, %scan3A_44 : i32
    %scan3A_46 = arith.constant 1 : i32
    %scan3A_47 = scf.for %scan3A_63 = %scan3A to %scan3A_45 step %scan3A_46 iter_args(%scan3A_64 = %broadcast_in_dim3A_43) -> (vector<16xf32>)  : i32 {
      %mul3A_65 = arith.constant 16 : i32
      %mul3A_66 = arith.muli %scan3A_63, %mul3A_65 : i32
      %add3A_67 = vector.broadcast %mul3A_66 : i32 to vector<16xi32>
      %add3A_68 = arith.addi %add3A_67, %iota3A : vector<16xi32>
      %mul3A_69 = arith.constant 16 : i32
      %mul3A_70 = arith.muli %scan3A_63, %mul3A_69 : i32
      %get3A = arith.index_cast %mul3A_70 : i32 to index
      %get3A_71 = tpu.vector_load %arg7[%get3A] {strides = array<i32>} : memref<2064xi32, #tpu.memory_space<vmem>>, vector<16xi32>,
      %mul3A_72 = arith.constant 16 : i32
      %mul3A_73 = arith.muli %scan3A_63, %mul3A_72 : i32
      %add3A_74 = arith.constant 1 : i32
      %add3A_75 = arith.addi %mul3A_73, %add3A_74 : i32
      %get3A_76 = arith.index_cast %add3A_75 : i32 to index
      %get3A_77 = tpu.vector_load %arg7[%get3A_76] {strides = array<i32>} : memref<2064xi32, #tpu.memory_space<vmem>>, vector<16xi32>,
      %eq3A_78 = arith.constant 15 : i32
      %eq3A_79 = vector.broadcast %eq3A_78 : i32 to vector<16xi32>
      %eq3A_80 = arith.cmpi eq, %iota3A, %eq3A_79 : vector<16xi32>
      %eq3A_81 = arith.constant 127 : i32
      %eq3A_82 = arith.cmpi eq, %scan3A_63, %eq3A_81 : i32
      %and3A_83 = vector.broadcast %eq3A_82 : i1 to vector<16xi1>
      %and3A_84 = arith.andi %eq3A_80, %and3A_83 : vector<16xi1>
      %eq3A_85 = arith.constant 0 : i32
      %eq3A_86 = arith.cmpi eq, %select_n3A_30, %eq3A_85 : i32
      %jit3A_87 = arith.constant 31 : i32
      %broadcast_in_dim3A_88 = vector.broadcast %jit3A_87 : i32 to vector<16xi32>
      %select_n3A_89 = arith.select %eq3A_86, %gather3A, %broadcast_in_dim3A_88 : vector<16xi32>
      %select_n3A_90 = arith.select %and3A_84, %select_n3A_89, %get3A_77 : vector<16xi1>, vector<16xi32>
      %shift_right_arithmetic3A = arith.constant 2 : i32
      %shift_right_arithmetic3A_91 = vector.broadcast %shift_right_arithmetic3A : i32 to vector<16xi32>
      %shift_right_arithmetic3A_92 = arith.shrsi %add3A_68, %shift_right_arithmetic3A_91 : vector<16xi32>
      %and3A_93 = arith.constant 3 : i32
      %and3A_94 = vector.broadcast %and3A_93 : i32 to vector<16xi32>
      %and3A_95 = arith.andi %add3A_68, %and3A_94 : vector<16xi32>
      %shift_left3A = arith.constant 5 : i32
      %shift_left3A_96 = vector.broadcast %shift_left3A : i32 to vector<16xi32>
      %shift_left3A_97 = arith.shli %and3A_95, %shift_left3A_96 : vector<16xi32>
      %add3A_98 = arith.addi %shift_left3A_97, %get3A_71 : vector<16xi32>
      %gather3A_99 = tpu.vector_load_idx %arg9[%shift_right_arithmetic3A_92, %add3A_98] : memref<512x128xf32, #tpu.memory_space<vmem>>[vector<16xi32>, vector<16xi32>], vector<16xf32>,
      %gather3A_100 = tpu.vector_load_idx %arg10[%select_n3A_90, %get3A_71] : memref<32x32xf32, #tpu.memory_space<vmem>>[vector<16xi32>, vector<16xi32>], vector<16xf32>,
      %add3A_101 = arith.addf %scan3A_64, %gather3A_99 : vector<16xf32>
      %add3A_102 = arith.addf %add3A_101, %gather3A_100 : vector<16xf32>
      scf.yield %add3A_102 : vector<16xf32>
    }
    %scan3A_48 = arith.constant 128 : i32
    %gather3A_49 = tpu.vector_load_idx %arg7[%broadcast_in_dim3A_39] : memref<2064xi32, #tpu.memory_space<vmem>>[vector<16xi32>], vector<16xi32>,
    %gather3A_50 = tpu.vector_load_idx %arg11[%broadcast_in_dim3A_39, %gather3A_49] : memref<1x32xf32, #tpu.memory_space<vmem>>[vector<16xi32>, vector<16xi32>], vector<16xf32>,
    %eq3A_51 = arith.constant 0 : i32
    %eq3A_52 = vector.broadcast %eq3A_51 : i32 to vector<16xi32>
    %eq3A_53 = arith.cmpi eq, %iota3A, %eq3A_52 : vector<16xi32>
    %eq3A_54 = arith.constant 0 : i32
    %eq3A_55 = arith.cmpi eq, %select_n3A_30, %eq3A_54 : i32
    %and3A_56 = vector.broadcast %eq3A_55 : i1 to vector<16xi1>
    %and3A_57 = arith.andi %eq3A_53, %and3A_56 : vector<16xi1>
    %broadcast_in_dim3A_58 = arith.constant 0.000000e+00 : f32
    %broadcast_in_dim3A_59 = vector.broadcast %broadcast_in_dim3A_58 : f32 to vector<16xf32>
    %select_n3A_60 = arith.select %and3A_57, %gather3A_50, %broadcast_in_dim3A_59 : vector<16xi1>, vector<16xf32>
    %add3A_61 = arith.addf %scan3A_47, %select_n3A_60 : vector<16xf32>
    %swap3A = arith.constant 0 : index
    %swap3A_62 = tpu.vector_load %arg12[%swap3A] {strides = array<i32>} : memref<16xf32, #tpu.memory_space<vmem>>, vector<16xf32>,
    tpu.vector_store %arg12[%swap3A], %add3A_61 {strides = array<i32>} : memref<16xf32, #tpu.memory_space<vmem>>, vector<16xf32>,
    "tpu.region"() ({
      %run_scoped3A = tpu.sem_alloc : memref<!tpu.dma_semaphore, #tpu.memory_space<semaphore_mem>>
      %dma_start3A = arith.constant 0 : i32
      %dma_start3A_63 = tpu.memref_slice %arg6[%add3A, %dma_start3A] : memref<32x16xf32, #tpu.memory_space<hbm>> -> memref<1x16xf32, #tpu.memory_space<hbm>>
      %dma_start3A_64 = tpu.memref_squeeze %dma_start3A_63 : memref<1x16xf32, #tpu.memory_space<hbm>> -> memref<16xf32, #tpu.memory_space<hbm>>
      %dma_start3A_65 = arith.constant 0 : i32
      %dma_start3A_66 = tpu.memref_slice %arg6[%add3A, %dma_start3A_65] : memref<32x16xf32, #tpu.memory_space<hbm>> -> memref<1x16xf32, #tpu.memory_space<hbm>>
      %dma_start3A_67 = tpu.memref_squeeze %dma_start3A_66 : memref<1x16xf32, #tpu.memory_space<hbm>> -> memref<16xf32, #tpu.memory_space<hbm>>
      tpu.enqueue_dma source(%arg12 : memref<16xf32, #tpu.memory_space<vmem>>) target(%dma_start3A_67 : memref<16xf32, #tpu.memory_space<hbm>>) target_semaphore(%run_scoped3A : memref<!tpu.dma_semaphore, #tpu.memory_space<semaphore_mem>>)
      %dma_wait3A = arith.constant 0 : i32
      %dma_wait3A_68 = tpu.memref_slice %arg6[%add3A, %dma_wait3A] : memref<32x16xf32, #tpu.memory_space<hbm>> -> memref<1x16xf32, #tpu.memory_space<hbm>>
      %dma_wait3A_69 = tpu.memref_squeeze %dma_wait3A_68 : memref<1x16xf32, #tpu.memory_space<hbm>> -> memref<16xf32, #tpu.memory_space<hbm>>
      %dma_wait3A_70 = arith.constant 0 : i32
      %dma_wait3A_71 = tpu.memref_slice %arg6[%add3A, %dma_wait3A_70] : memref<32x16xf32, #tpu.memory_space<hbm>> -> memref<1x16xf32, #tpu.memory_space<hbm>>
      %dma_wait3A_72 = tpu.memref_squeeze %dma_wait3A_71 : memref<1x16xf32, #tpu.memory_space<hbm>> -> memref<16xf32, #tpu.memory_space<hbm>>
      tpu.wait_dma2 semaphore(%run_scoped3A : memref<!tpu.dma_semaphore, #tpu.memory_space<semaphore_mem>>) src(%arg12 : memref<16xf32, #tpu.memory_space<vmem>>) dst(%dma_wait3A_72 : memref<16xf32, #tpu.memory_space<hbm>>)
      tpu.yield
    }) : () -> ()
    return
  }
}

module attributes {stable_mosaic.version = 14 : i64} {
  func.func @_prep_body(%arg0: memref<32x32xf32, #tpu.memory_space<vmem>>, %arg1: memref<1x32xf32, #tpu.memory_space<vmem>>, %arg2: memref<32x32xf32, #tpu.memory_space<vmem>>, %arg3: memref<1x32xf32, #tpu.memory_space<vmem>>) attributes {dimension_semantics = [], scalar_prefetch = 0 : i64, scratch_operands = 0 : i64, tpu.core_type = #tpu.core_type<tc>} {
    %get3A = arith.constant 0 : index
    %get3A_0 = arith.constant 0 : index
    %get3A_1 = vector.load %arg0[%get3A, %get3A_0] : memref<32x32xf32, #tpu.memory_space<vmem>>, vector<32x32xf32>
    %reduce_max3A = arith.constant dense<0xFF800000> : vector<32xf32>
    %reduce_max3A_2 = vector.multi_reduction <maximumf>, %get3A_1, %reduce_max3A [0] : vector<32x32xf32> to vector<32xf32>
    %broadcast_in_dim3A = vector.shape_cast %reduce_max3A_2 : vector<32xf32> to vector<1x32xf32>
    %sub3A = vector.broadcast %broadcast_in_dim3A : vector<1x32xf32> to vector<32x32xf32>
    %sub3A_3 = arith.subf %get3A_1, %sub3A : vector<32x32xf32>
    %exp3A = math.exp %sub3A_3 : vector<32x32xf32>
    %reduce_sum3A = arith.constant dense<0.000000e+00> : vector<32xf32>
    %reduce_sum3A_4 = vector.multi_reduction <add>, %exp3A, %reduce_sum3A [0] : vector<32x32xf32> to vector<32xf32>
    %broadcast_in_dim3A_5 = vector.shape_cast %reduce_sum3A_4 : vector<32xf32> to vector<1x32xf32>
    %log3A = math.log %broadcast_in_dim3A_5 : vector<1x32xf32>
    %add3A = arith.addf %broadcast_in_dim3A, %log3A : vector<1x32xf32>
    %sub3A_6 = vector.broadcast %add3A : vector<1x32xf32> to vector<32x32xf32>
    %sub3A_7 = arith.subf %get3A_1, %sub3A_6 : vector<32x32xf32>
    %swap3A = arith.constant 0 : index
    %swap3A_8 = arith.constant 0 : index
    %swap3A_9 = vector.load %arg2[%swap3A, %swap3A_8] : memref<32x32xf32, #tpu.memory_space<vmem>>, vector<32x32xf32>
    tpu.vector_store %arg2[%swap3A, %swap3A_8], %sub3A_7 {strides = array<i32>} : memref<32x32xf32, #tpu.memory_space<vmem>>, vector<32x32xf32>,
    %get3A_10 = arith.constant 0 : index
    %get3A_11 = arith.constant 0 : index
    %get3A_12 = vector.load %arg1[%get3A_10, %get3A_11] : memref<1x32xf32, #tpu.memory_space<vmem>>, vector<1x32xf32>
    %iota3A = tpu.iota {dimensions = array<i32: 1>} : vector<1x32xi32>
    %lt3A = arith.constant 31 : i32
    %lt3A_13 = vector.broadcast %lt3A : i32 to vector<1x32xi32>
    %lt3A_14 = arith.cmpi slt, %iota3A, %lt3A_13 : vector<1x32xi32>
    %jit3A = arith.constant -1.000000e+30 : f32
    %broadcast_in_dim3A_15 = vector.broadcast %jit3A : f32 to vector<1x32xf32>
    %select_n3A = arith.select %lt3A_14, %get3A_12, %broadcast_in_dim3A_15 : vector<1x32xi1>, vector<1x32xf32>
    %reduce_max3A_16 = vector.shape_cast %select_n3A : vector<1x32xf32> to vector<1x1x32xf32>
    %reduce_max3A_17 = arith.constant dense<0xFF800000> : vector<1xf32>
    %reduce_max3A_18 = vector.multi_reduction <maximumf>, %reduce_max3A_16, %reduce_max3A_17 [1, 2] : vector<1x1x32xf32> to vector<1xf32>
    %reduce_max3A_19 = vector.shape_cast %reduce_max3A_18 : vector<1xf32> to vector<1x1x1xf32>
    %reduce_max3A_20 = vector.extract %reduce_max3A_19[0, 0, 0] : f32 from vector<1x1x1xf32>
    %sub3A_21 = vector.broadcast %reduce_max3A_20 : f32 to vector<1x32xf32>
    %sub3A_22 = arith.subf %select_n3A, %sub3A_21 : vector<1x32xf32>
    %exp3A_23 = math.exp %sub3A_22 : vector<1x32xf32>
    %reduce_sum3A_24 = vector.shape_cast %exp3A_23 : vector<1x32xf32> to vector<1x1x32xf32>
    %reduce_sum3A_25 = arith.constant dense<0.000000e+00> : vector<1xf32>
    %reduce_sum3A_26 = vector.multi_reduction <add>, %reduce_sum3A_24, %reduce_sum3A_25 [1, 2] : vector<1x1x32xf32> to vector<1xf32>
    %reduce_sum3A_27 = vector.shape_cast %reduce_sum3A_26 : vector<1xf32> to vector<1x1x1xf32>
    %reduce_sum3A_28 = vector.extract %reduce_sum3A_27[0, 0, 0] : f32 from vector<1x1x1xf32>
    %log3A_29 = math.log %reduce_sum3A_28 : f32
    %add3A_30 = arith.addf %reduce_max3A_20, %log3A_29 : f32
    %sub3A_31 = vector.broadcast %add3A_30 : f32 to vector<1x32xf32>
    %sub3A_32 = arith.subf %select_n3A, %sub3A_31 : vector<1x32xf32>
    %swap3A_33 = arith.constant 0 : index
    %swap3A_34 = arith.constant 0 : index
    %swap3A_35 = vector.load %arg3[%swap3A_33, %swap3A_34] : memref<1x32xf32, #tpu.memory_space<vmem>>, vector<1x32xf32>
    tpu.vector_store %arg3[%swap3A_33, %swap3A_34], %sub3A_32 {strides = array<i32>} : memref<1x32xf32, #tpu.memory_space<vmem>>, vector<1x32xf32>,
    return
  }
}

module attributes {stable_mosaic.version = 14 : i64} {
  func.func @_dense_body(%arg0: i32, %arg1: memref<2048x128xf32, #tpu.memory_space<vmem>>, %arg2: memref<1x1xf32, #tpu.memory_space<vmem>>) attributes {dimension_semantics = [#tpu.dimension_semantics<arbitrary>], iteration_bounds = array<i64: 8>, scalar_prefetch = 0 : i64, scratch_operands = 0 : i64, tpu.core_type = #tpu.core_type<tc>, window_params = [{transform_indices = @transform_0, window_bounds = array<i64: 2048, 128>}, {pipeline_mode = #tpu.pipeline_mode<synchronous>, transform_indices = @transform_1, window_bounds = array<i64: 1, 1>}]} {
    %get3A = arith.constant 0 : index
    %get3A_0 = arith.constant 0 : index
    %get3A_1 = vector.load %arg1[%get3A, %get3A_0] : memref<2048x128xf32, #tpu.memory_space<vmem>>, vector<2048x128xf32>
    %exp3A = math.exp %get3A_1 : vector<2048x128xf32>
    %iota3A = tpu.iota {dimensions = array<i32: 0>} : vector<128x128xi32>
    %jit3A = arith.constant 32 : i32
    %div3A = vector.broadcast %jit3A : i32 to vector<128x128xi32>
    %div3A_2 = arith.divsi %iota3A, %div3A : vector<128x128xi32>
    %sign3A = arith.constant 0 : i32
    %sign3A_3 = vector.broadcast %sign3A : i32 to vector<128x128xi32>
    %sign3A_4 = arith.cmpi sgt, %iota3A, %sign3A_3 : vector<128x128xi32>
    %sign3A_5 = arith.extui %sign3A_4 : vector<128x128xi1> to vector<128x128xi32>
    %sign3A_6 = arith.constant 0 : i32
    %sign3A_7 = vector.broadcast %sign3A_6 : i32 to vector<128x128xi32>
    %sign3A_8 = arith.cmpi slt, %iota3A, %sign3A_7 : vector<128x128xi32>
    %sign3A_9 = arith.extui %sign3A_8 : vector<128x128xi1> to vector<128x128xi32>
    %sign3A_10 = arith.subi %sign3A_5, %sign3A_9 : vector<128x128xi32>
    %sign3A_11 = arith.constant 0 : i32
    %sign3A_12 = arith.cmpi sgt, %jit3A, %sign3A_11 : i32
    %sign3A_13 = arith.extui %sign3A_12 : i1 to i32
    %sign3A_14 = arith.constant 0 : i32
    %sign3A_15 = arith.cmpi slt, %jit3A, %sign3A_14 : i32
    %sign3A_16 = arith.extui %sign3A_15 : i1 to i32
    %sign3A_17 = arith.subi %sign3A_13, %sign3A_16 : i32
    %ne3A = vector.broadcast %sign3A_17 : i32 to vector<128x128xi32>
    %ne3A_18 = arith.cmpi ne, %sign3A_10, %ne3A : vector<128x128xi32>
    %rem3A = vector.broadcast %jit3A : i32 to vector<128x128xi32>
    %rem3A_19 = arith.remsi %iota3A, %rem3A : vector<128x128xi32>
    %ne3A_20 = arith.constant 0 : i32
    %ne3A_21 = vector.broadcast %ne3A_20 : i32 to vector<128x128xi32>
    %ne3A_22 = arith.cmpi ne, %rem3A_19, %ne3A_21 : vector<128x128xi32>
    %and3A = arith.andi %ne3A_18, %ne3A_22 : vector<128x128xi1>
    %sub3A = arith.constant 1 : i32
    %sub3A_23 = vector.broadcast %sub3A : i32 to vector<128x128xi32>
    %sub3A_24 = arith.subi %div3A_2, %sub3A_23 : vector<128x128xi32>
    %select_n3A = arith.select %and3A, %sub3A_24, %div3A_2 : vector<128x128xi1>, vector<128x128xi32>
    %iota3A_25 = tpu.iota {dimensions = array<i32: 1>} : vector<128x128xi32>
    %jit3A_26 = arith.constant 32 : i32
    %div3A_27 = vector.broadcast %jit3A_26 : i32 to vector<128x128xi32>
    %div3A_28 = arith.divsi %iota3A_25, %div3A_27 : vector<128x128xi32>
    %sign3A_29 = arith.constant 0 : i32
    %sign3A_30 = vector.broadcast %sign3A_29 : i32 to vector<128x128xi32>
    %sign3A_31 = arith.cmpi sgt, %iota3A_25, %sign3A_30 : vector<128x128xi32>
    %sign3A_32 = arith.extui %sign3A_31 : vector<128x128xi1> to vector<128x128xi32>
    %sign3A_33 = arith.constant 0 : i32
    %sign3A_34 = vector.broadcast %sign3A_33 : i32 to vector<128x128xi32>
    %sign3A_35 = arith.cmpi slt, %iota3A_25, %sign3A_34 : vector<128x128xi32>
    %sign3A_36 = arith.extui %sign3A_35 : vector<128x128xi1> to vector<128x128xi32>
    %sign3A_37 = arith.subi %sign3A_32, %sign3A_36 : vector<128x128xi32>
    %sign3A_38 = arith.constant 0 : i32
    %sign3A_39 = arith.cmpi sgt, %jit3A_26, %sign3A_38 : i32
    %sign3A_40 = arith.extui %sign3A_39 : i1 to i32
    %sign3A_41 = arith.constant 0 : i32
    %sign3A_42 = arith.cmpi slt, %jit3A_26, %sign3A_41 : i32
    %sign3A_43 = arith.extui %sign3A_42 : i1 to i32
    %sign3A_44 = arith.subi %sign3A_40, %sign3A_43 : i32
    %ne3A_45 = vector.broadcast %sign3A_44 : i32 to vector<128x128xi32>
    %ne3A_46 = arith.cmpi ne, %sign3A_37, %ne3A_45 : vector<128x128xi32>
    %rem3A_47 = vector.broadcast %jit3A_26 : i32 to vector<128x128xi32>
    %rem3A_48 = arith.remsi %iota3A_25, %rem3A_47 : vector<128x128xi32>
    %ne3A_49 = arith.constant 0 : i32
    %ne3A_50 = vector.broadcast %ne3A_49 : i32 to vector<128x128xi32>
    %ne3A_51 = arith.cmpi ne, %rem3A_48, %ne3A_50 : vector<128x128xi32>
    %and3A_52 = arith.andi %ne3A_46, %ne3A_51 : vector<128x128xi1>
    %sub3A_53 = arith.constant 1 : i32
    %sub3A_54 = vector.broadcast %sub3A_53 : i32 to vector<128x128xi32>
    %sub3A_55 = arith.subi %div3A_28, %sub3A_54 : vector<128x128xi32>
    %select_n3A_56 = arith.select %and3A_52, %sub3A_55, %div3A_28 : vector<128x128xi1>, vector<128x128xi32>
    %eq3A = arith.cmpi eq, %select_n3A, %select_n3A_56 : vector<128x128xi32>
    %convert_element_type3A = arith.extui %eq3A : vector<128x128xi1> to vector<128x128xi32>
    %convert_element_type3A_57 = arith.sitofp %convert_element_type3A : vector<128x128xi32> to vector<128x128xf32>
    %convert_element_type3A_58 = arith.truncf %convert_element_type3A_57 : vector<128x128xf32> to vector<128x128xbf16>
    %convert_element_type3A_59 = arith.truncf %exp3A : vector<2048x128xf32> to vector<2048x128xbf16>
    %dot_general3A = arith.constant dense<0.000000e+00> : vector<2048x128xf32>
    %dot_general3A_60 = tpu.matmul %convert_element_type3A_59, %convert_element_type3A_58, %dot_general3A {dimension_numbers = #tpu.dot_dimension_numbers<[1], [0], [0], [1], [0, 0, 1, 1], [], []>, transpose_lhs_hint = false} : vector<2048x128xbf16>, vector<128x128xbf16>, vector<2048x128xf32> -> vector<2048x128xf32>
    %log3A = math.log %dot_general3A_60 : vector<2048x128xf32>
    %reduce_sum3A = vector.shape_cast %log3A : vector<2048x128xf32> to vector<1x2048x128xf32>
    %reduce_sum3A_61 = arith.constant dense<0.000000e+00> : vector<1xf32>
    %reduce_sum3A_62 = vector.multi_reduction <add>, %reduce_sum3A, %reduce_sum3A_61 [1, 2] : vector<1x2048x128xf32> to vector<1xf32>
    %reduce_sum3A_63 = vector.shape_cast %reduce_sum3A_62 : vector<1xf32> to vector<1x1x1xf32>
    %reduce_sum3A_64 = vector.extract %reduce_sum3A_63[0, 0, 0] : f32 from vector<1x1x1xf32>
    %neg3A = arith.constant 0.000000e+00 : f32
    %neg3A_65 = arith.subf %neg3A, %reduce_sum3A_64 : f32
    %mul3A = arith.constant 3.125000e-02 : f32
    %mul3A_66 = arith.mulf %neg3A_65, %mul3A : f32
    %slice3A = vector.extract_strided_slice %exp3A {offsets = [1023, 96], sizes = [1, 32], strides = [1, 1]} : vector<2048x128xf32> to vector<1x32xf32>
    %reduce_sum3A_67 = vector.shape_cast %slice3A : vector<1x32xf32> to vector<1x1x32xf32>
    %reduce_sum3A_68 = arith.constant dense<0.000000e+00> : vector<1xf32>
    %reduce_sum3A_69 = vector.multi_reduction <add>, %reduce_sum3A_67, %reduce_sum3A_68 [1, 2] : vector<1x1x32xf32> to vector<1xf32>
    %reduce_sum3A_70 = vector.shape_cast %reduce_sum3A_69 : vector<1xf32> to vector<1x1x1xf32>
    %reduce_sum3A_71 = vector.extract %reduce_sum3A_70[0, 0, 0] : f32 from vector<1x1x1xf32>
    %slice3A_72 = vector.extract_strided_slice %slice3A {offsets = [0, 31], sizes = [1, 1], strides = [1, 1]} : vector<1x32xf32> to vector<1x1xf32>
    %reduce_sum3A_73 = vector.shape_cast %slice3A_72 : vector<1x1xf32> to vector<1x1x1xf32>
    %reduce_sum3A_74 = arith.constant dense<0.000000e+00> : vector<1xf32>
    %reduce_sum3A_75 = vector.multi_reduction <add>, %reduce_sum3A_73, %reduce_sum3A_74 [1, 2] : vector<1x1x1xf32> to vector<1xf32>
    %reduce_sum3A_76 = vector.shape_cast %reduce_sum3A_75 : vector<1xf32> to vector<1x1x1xf32>
    %reduce_sum3A_77 = vector.extract %reduce_sum3A_76[0, 0, 0] : f32 from vector<1x1x1xf32>
    %sub3A_78 = arith.subf %reduce_sum3A_71, %reduce_sum3A_77 : f32
    %log3A_79 = math.log %reduce_sum3A_71 : f32
    %log3A_80 = math.log %sub3A_78 : f32
    %sub3A_81 = arith.subf %log3A_79, %log3A_80 : f32
    %add3A = arith.addf %mul3A_66, %sub3A_81 : f32
    %slice3A_82 = vector.extract_strided_slice %exp3A {offsets = [2047, 96], sizes = [1, 32], strides = [1, 1]} : vector<2048x128xf32> to vector<1x32xf32>
    %reduce_sum3A_83 = vector.shape_cast %slice3A_82 : vector<1x32xf32> to vector<1x1x32xf32>
    %reduce_sum3A_84 = arith.constant dense<0.000000e+00> : vector<1xf32>
    %reduce_sum3A_85 = vector.multi_reduction <add>, %reduce_sum3A_83, %reduce_sum3A_84 [1, 2] : vector<1x1x32xf32> to vector<1xf32>
    %reduce_sum3A_86 = vector.shape_cast %reduce_sum3A_85 : vector<1xf32> to vector<1x1x1xf32>
    %reduce_sum3A_87 = vector.extract %reduce_sum3A_86[0, 0, 0] : f32 from vector<1x1x1xf32>
    %slice3A_88 = vector.extract_strided_slice %slice3A_82 {offsets = [0, 31], sizes = [1, 1], strides = [1, 1]} : vector<1x32xf32> to vector<1x1xf32>
    %reduce_sum3A_89 = vector.shape_cast %slice3A_88 : vector<1x1xf32> to vector<1x1x1xf32>
    %reduce_sum3A_90 = arith.constant dense<0.000000e+00> : vector<1xf32>
    %reduce_sum3A_91 = vector.multi_reduction <add>, %reduce_sum3A_89, %reduce_sum3A_90 [1, 2] : vector<1x1x1xf32> to vector<1xf32>
    %reduce_sum3A_92 = vector.shape_cast %reduce_sum3A_91 : vector<1xf32> to vector<1x1x1xf32>
    %reduce_sum3A_93 = vector.extract %reduce_sum3A_92[0, 0, 0] : f32 from vector<1x1x1xf32>
    %sub3A_94 = arith.subf %reduce_sum3A_87, %reduce_sum3A_93 : f32
    %log3A_95 = math.log %reduce_sum3A_87 : f32
    %log3A_96 = math.log %sub3A_94 : f32
    %sub3A_97 = arith.subf %log3A_95, %log3A_96 : f32
    %add3A_98 = arith.addf %add3A, %sub3A_97 : f32
    %eq3A_99 = arith.constant 0 : i32
    %eq3A_100 = arith.cmpi eq, %arg0, %eq3A_99 : i32
    %convert_element_type3A_101 = arith.extui %eq3A_100 : i1 to i32
    %cond3A = arith.constant 0 : i32
    %cond3A_102 = arith.cmpi ne, %convert_element_type3A_101, %cond3A : i32
    scf.if %cond3A_102 {
      %reshape3A = vector.broadcast %add3A_98 : f32 to vector<1x1xf32>
      %swap3A = arith.constant 0 : index
      %swap3A_108 = arith.constant 0 : index
      %swap3A_109 = vector.load %arg2[%swap3A, %swap3A_108] : memref<1x1xf32, #tpu.memory_space<vmem>>, vector<1x1xf32>
      tpu.vector_store %arg2[%swap3A, %swap3A_108], %reshape3A {strides = array<i32>} : memref<1x1xf32, #tpu.memory_space<vmem>>, vector<1x1xf32>,
    } else {
    }
    %ne3A_103 = arith.constant 0 : i32
    %ne3A_104 = arith.cmpi ne, %arg0, %ne3A_103 : i32
    %convert_element_type3A_105 = arith.extui %ne3A_104 : i1 to i32
    %cond3A_106 = arith.constant 0 : i32
    %cond3A_107 = arith.cmpi ne, %convert_element_type3A_105, %cond3A_106 : i32
    scf.if %cond3A_107 {
      %get3A_108 = arith.constant 0 : index
      %get3A_109 = arith.constant 0 : index
      %get3A_110 = vector.load %arg2[%get3A_108, %get3A_109] : memref<1x1xf32, #tpu.memory_space<vmem>>, vector<1x1xf32>
      %reshape3A = vector.broadcast %add3A_98 : f32 to vector<1x1xf32>
      %add3A_111 = arith.addf %get3A_110, %reshape3A : vector<1x1xf32>
      %swap3A = arith.constant 0 : index
      %swap3A_112 = arith.constant 0 : index
      %swap3A_113 = vector.load %arg2[%swap3A, %swap3A_112] : memref<1x1xf32, #tpu.memory_space<vmem>>, vector<1x1xf32>
      tpu.vector_store %arg2[%swap3A, %swap3A_112], %add3A_111 {strides = array<i32>} : memref<1x1xf32, #tpu.memory_space<vmem>>, vector<1x1xf32>,
    } else {
    }
    return
  }
  func.func @transform_0(%arg0: i32) -> (i32, i32) {
    %c0_i32 = arith.constant 0 : i32
    %c0_i32_0 = arith.constant 0 : i32
    return %arg0, %c0_i32 : i32, i32
  }
  func.func @transform_1(%arg0: i32) -> (i32, i32) {
    %c0_i32 = arith.constant 0 : i32
    %c0_i32_0 = arith.constant 0 : i32
    %c0_i32_1 = arith.constant 0 : i32
    return %c0_i32, %c0_i32_0 : i32, i32
  }
}

</mosaic_0001>

<sc_bundles>
// kernel: kernel.5.cloned.1.call-start
scs
__scs_entry_jumppad:
0x0: {  	(pc) =	sbr.rel $0x88, $3  }
0x1: {  	(tag) =	ssettag $0x0;
	lr =	simm.s32 $0x1  }
0x2: {  	[smem:$0x3F9E] =	sst lr;
	_ =	strace $0xD0000000  }
0x3: {  	_ = 	snop  }
0x4: {  	_ = 	snop  }
0x5: {  	_ = 	snop  }
0x6: {  	_ = 	snop  }
0x7: {  	_ = 	snop  }
__scs_overlays_trampoline_lowered:
0x8: {  	[smem:$0x3FAD] =	sst s0  }
0x9: {  	[smem:$0x3FAE] =	sst s1  }
0xa: {  	[smem:$0x3FAF] =	sst s2  }
0xb: {  	[smem:$0x3FB0] =	sst s3  }
0xc: {  	[smem:$0x3FB1] =	sst s4  }
0xd: {  	[smem:$0x3FB2] =	sst s5  }
0xe: {  	[smem:$0x3FB3] =	sst s6  }
0xf: {  	[smem:$0x3FB4] =	sst s7  }
0x10: {  	[smem:$0x3FB5] =	sst s8  }
0x11: {  	[smem:$0x3FB6] =	sst s9;
	s0 =	simm.s32 @!p0 $0x0  }
0x12: {  	s1 =	sld [smem:$0x3F9C];
	s0 =	simm.s32 @p0 $0x1  }
0x13: {  	[smem:$0x3FB7] =	sst s0;
	s0 =	simm.s32 @!p1 $0x0  }
0x14: {  	s2 =	sld [smem:$0x3F9B];
	s0 =	simm.s32 @p1 $0x1  }
0x15: {  	[smem:$0x3FB8] =	sst s0;
	s0 =	simm.s32 @!p2 $0x0  }
0x16: {  	s3 =	sld [smem:$0x3FDB];
	s0 =	simm.s32 @p2 $0x1  }
0x17: {  	s4 =	simm.s32 $0x1BF5;
	[smem:$0x3FBA] =	sst s0  }
0x18: {  	s0 =	sld [smem:$0x3F9D];
	_ =	swait.ge [sflag:s4], $0x0  }
0x19: {  	s7 =	sld [smem:$0x3F9E]  }
0x1a: {  	s8 =	sadd.s32 $0xFFFFE003, lr  }
0x1b: {  	s9 =	sadd.s32 $0xFFFFFEF7, lr;
	s5 =	simm.s32 $0xFFFFFFFF;
	p2 =	slt.u32 s8, $0xFFFFF086  }
0x1c: {  	p1 =	slt.u32 s9, $0xF7A;
	s5 =	simm.s32 @!p2 $0x0  }
0x1d: {  	s5 =	simm.s32 @p1 $0x1;
	p0 =	seq.s32 s7, s2  }
0x1e: {  	s7 =	smul.u32 @!p0 $0xF7A, s2;
	p2 =	seq.s32 @!p0 s5, $0x0  }
0x1f: {  	s9 =	smul.u32 $0xF7A, s1;
	s8 =	simm.s32 @!p0 $0x1BF5;
	p2 =	por !p2, p0  }
0x20: {  	[sflag:s8] =	ssyncset.s32 @!p0 $0xFFFFF086;
	s6 =	sadd.s32 @!p0 s3, s7;
	s7 =	simm.s32 @!p0 $0x108  }
0x21: {  	s3 =	sadd.s32 s3, s9;
	s6 =	sadd.s32 @!p0 $0x88, s6;
	s7 =	simm.s32 @p2 $0x1082  }
0x22: {  	[simem:s7], [sflag:s8] =	dma.local @!p0 [hbm:s6], $0xF7A  }
0x23: {  	s9 =	sor.u32 $0xD0000000, s2;
	s6 =	simm.s32 $0x108;
	_ =	swait.ge @!p0 [sflag:s8], $0x0  }
0x24: {  	s3 =	sadd.s32 $0x88, s3;
	s6 =	simm.s32 @!p1 $0x1082;
	[sflag:s4] =	ssyncset.s32 $0xFFFFF086  }
0x25: {  	[simem:s6], [sflag:s4] =	dma.local [hbm:s3], $0xF7A  }
0x26: {  	[smem:$0x3F9E] =	sst s1;
	(tag) =	ssettag s2;
	_ =	strace s9  }
0x27: {  	s1 =	sld [smem:$0x3FAE]  }
0x28: {  	s2 =	sld [smem:$0x3FAF]  }
0x29: {  	s4 =	sld [smem:$0x3FB1]  }
0x2a: {  	p0 =	seq.s32 s5, $0x0;
	s5 =	sld [smem:$0x3FB2]  }
0x2b: {  	s6 =	sld [smem:$0x3FB3]  }
0x2c: {  	s7 =	sld [smem:$0x3FB4]  }
0x2d: {  	s3 =	simm.s32 $0x108;
	s8 =	sld [smem:$0x3FB5]  }
0x2e: {  	s3 =	simm.s32 @!p0 $0x1082;
	s9 =	sld [smem:$0x3FB6]  }
0x2f: {  	lr =	sadd.s32 s0, s3;
	s0 =	sld [smem:$0x3FAD]  }
0x30: {  	s3 =	sld [smem:$0x3FB0]  }
0x31: {  	[smem:$0x3FB9] =	sst s10  }
0x32: {  	s10 =	sld [smem:$0x3FB7];
	_ =	sdelay $0x3  }
0x33: {  	p0 =	seq.s32 s10, $0x1;
	s10 =	sld [smem:$0x3FB9];
	_ =	sdelay $0x3  }
0x34: {  	[smem:$0x3FB9] =	sst s10  }
0x35: {  	s10 =	sld [smem:$0x3FB8];
	_ =	sdelay $0x3  }
0x36: {  	p1 =	seq.s32 s10, $0x1;
	s10 =	sld [smem:$0x3FB9];
	_ =	sdelay $0x3  }
0x37: {  	[smem:$0x3FB9] =	sst s10  }
0x38: {  	s10 =	sld [smem:$0x3FBA]  }
0x39: {  	_ = 	snop;
	(pc) =	sbr.ind lr, $3  }
0x3a: {  	_ = 	snop  }
0x3b: {  	_ = 	snop  }
0x3c: {  	p2 =	seq.s32 s10, $0x1;
	s10 =	sld [smem:$0x3FB9]  }
0x3d: {  	_ =	shalt  }
0x3e: {  	_ =	shalt  }
0x3f: {  	_ =	shalt  }
0x40: {  	_ =	shalt  }
0x41: {  	_ =	shalt  }
0x42: {  	_ =	shalt  }
0x43: {  	_ =	shalt  }
0x44: {  	_ =	shalt  }
0x45: {  	_ =	shalt  }
0x46: {  	_ =	shalt  }
0x47: {  	_ =	shalt  }
0x48: {  	_ =	shalt  }
0x49: {  	_ =	shalt  }
0x4a: {  	_ =	shalt  }
0x4b: {  	_ =	shalt  }
0x4c: {  	_ =	shalt  }
0x4d: {  	_ =	shalt  }
0x4e: {  	_ =	shalt  }
0x4f: {  	_ =	shalt  }
0x50: {  	_ =	shalt  }
0x51: {  	_ =	shalt  }
0x52: {  	_ =	shalt  }
0x53: {  	_ =	shalt  }
0x54: {  	_ =	shalt  }
0x55: {  	_ =	shalt  }
0x56: {  	_ =	shalt  }
0x57: {  	_ =	shalt  }
0x58: {  	_ =	shalt  }
0x59: {  	_ =	shalt  }
0x5a: {  	_ =	shalt  }
0x5b: {  	_ =	shalt  }
0x5c: {  	_ =	shalt  }
0x5d: {  	_ =	shalt  }
0x5e: {  	_ =	shalt  }
0x5f: {  	_ =	shalt  }
0x60: {  	_ =	shalt  }
0x61: {  	_ =	shalt  }
0x62: {  	_ =	shalt  }
0x63: {  	_ =	shalt  }
0x64: {  	_ =	shalt  }
0x65: {  	_ =	shalt  }
0x66: {  	_ =	shalt  }
0x67: {  	_ =	shalt  }
0x68: {  	_ =	shalt  }
0x69: {  	_ =	shalt  }
0x6a: {  	_ =	shalt  }
0x6b: {  	_ =	shalt  }
0x6c: {  	_ =	shalt  }
0x6d: {  	_ =	shalt  }
0x6e: {  	_ =	shalt  }
0x6f: {  	_ =	shalt  }
0x70: {  	_ =	shalt  }
0x71: {  	_ =	shalt  }
0x72: {  	_ =	shalt  }
0x73: {  	_ =	shalt  }
0x74: {  	_ =	shalt  }
0x75: {  	_ =	shalt  }
0x76: {  	_ =	shalt  }
0x77: {  	_ =	shalt  }
0x78: {  	_ =	shalt  }
0x79: {  	_ =	shalt  }
0x7a: {  	_ =	shalt  }
0x7b: {  	_ =	shalt  }
0x7c: {  	_ =	shalt  }
0x7d: {  	_ =	shalt  }
0x7e: {  	_ =	shalt  }
0x7f: {  	_ =	shalt  }
0x80: {  	_ =	shalt  }
0x81: {  	_ =	shalt  }
0x82: {  	_ =	shalt  }
0x83: {  	_ =	shalt  }
0x84: {  	_ =	shalt  }
0x85: {  	_ =	shalt  }
0x86: {  	_ =	shalt  }
0x87: {  	_ =	shalt  }
.Lfunc_end0:
.L_simem_size_0:
called_computation_lowered:
.L_overlay_start_0:
0x88: {  	s2 =	sld [smem:$0x3FD9]  }
0x89: {  	s3 =	sld [smem:$0x3FFE];
	_ =	sdelay $0x1  }
0x8a: {  	s1 =	srdreg.scid  }
0x8b: {  	s0 =	sand.u32 $0x1, s1  }
0x8c: {  	s16 =	sshll.u32 s0, $0xA;
	s2 =	sadd.s32 s3, s2  }
0x8d: {  	s2 =	sadd.s32 s2, s16  }
0x8e: {  	[smem:$0x3FC5] =	sst s2  }
0x8f: {  	_ = 	snop  }
0x90: {  	(tm) =	ssettm $0x1  }
0x91: {  	s17 =	sld [smem:$0x3FFB];
	_ =	sdelay $0x3  }
0x92: {  	_ =	strace s17  }
0x93: {  	s2 =	sld [smem:$0x3FFC];
	_ =	sdelay $0x3  }
0x94: {  	_ =	strace s2  }
0x95: {  	s2 =	sld [smem:$0x3FFD];
	_ =	sdelay $0x3  }
0x96: {  	_ =	strace s2  }
0x97: {  	_ =	strace $0x8FFFFFFF  }
0x98: {  	s18 =	sld [smem:$0x3FDB];
	_ =	sdelay $0x1  }
0x99: {  	s19 =	simm.s32 $_scs_section_size  }
0x9a: {  	s4 =	simm.s32 $_size__tile_overlayer_lowered;
	s5 =	simm.s32 $_tile_overlayer_lowered  }
0x9b: {  	s22 =	simm.s32 $0x1BFF;
	s21 =	sshll.u32 s5, $0x1;
	s2 =	sadd.s32 s19, s18  }
0x9c: {  	s6 =	simm.s32 $0x0;
	s20 =	sshll.u32 s4, $0x1;
	s4 =	sadd.s32 s21, s2  }
0x9d: {  	[timem:s6], [sflag:s22] =	dma.local [hbm:s4], s20  }
0x9e: {  	_ =	swait.ge [sflag:s22], s20  }
0x9f: {  	s3 =	ssub.s32 $0x0, s20;
	[sflag:s22] =	ssyncset.done $0x0  }
0xa0: {  	[sflag:s22] =	ssyncadd.s32 s3;
	_ =	sdelay $0x1  }
0xa1: {  	s23 =	simm.s32 $0x1B8B  }
0xa2: {  	_ =	swait.ge [sflag:s23], $0x1  }
0xa3: {  	[sflag:s23] =	ssyncset.done $0x0  }
0xa4: {  	s25 =	simm.s32 $0x1B8E;
	s24 =	sld [smem:$0x3FFE];
	[sflag:s23] =	ssyncadd.s32 $0xFFFFFFFF  }
0xa5: {  	s26 =	simm.s32 $execute0_lowered;
	[smem:$0x3FD2] =	sst s25  }
0xa6: {  	s4 =	sshll.u32 s26, $0x1;
	_ =	strace $0x80000046;
	[dreg:$0x1] =	wrdreg $0xFFFFFFFF  }
0xa7: {  	s28 =	simm.s32 $_size_execute0_lowered;
	s2 =	sadd.s32 s2, s4;
	[dreg:$0x0] =	wrdreg $0x0  }
0xa8: {  	s4 =	sshll.u32 s28, $0x1;
	[dreg:$0x2] =	wrdreg s2  }
0xa9: {  	[dreg:$0x3] =	wrdreg s4  }
0xaa: {  	[dreg:$0x4] =	wrdreg $0xC0  }
0xab: {  	_ =	task [dreg:s6], $0x5FFFF  }
0xac: {  	[dreg:$0x1] =	wrdreg $0xFFFFFFFF  }
0xad: {  	[dreg:$0x0] =	wrdreg $0x60  }
0xae: {  	[dreg:$0x2] =	wrdreg s24  }
0xaf: {  	[dreg:$0x3] =	wrdreg $0x9  }
0xb0: {  	_ =	task.clear_ibuf [dreg:s6], $0x4FFFF;
	_ =	strace $0x90000046  }
0xb1: {  	s29 =	simm.s32 $0x9;
	_ =	strace $0x80000048  }
0xb2: {  	_ =	swait.ge [sflag:s29], $0x1  }
0xb3: {  	[sflag:s29] =	ssyncadd.s32 $0xFFFFFFFF  }
0xb4: {  	_ =	strace $0x90000048  }
0xb5: {  	_ =	sfence  }
0xb6: {  	s30 =	sld [smem:$0x0];
	_ =	sdelay $0x2  }
0xb7: {  	s31 =	sshll.u32 s1, $0xD;
	s1 =	sshrl.u32 s1, $0x2  }
0xb8: {  	s3 =	sand.u32 $0x4000, s31;
	s1 =	sadd.s32 s1, s30  }
0xb9: {  	s0 =	sor.u32 s3, s0;
	s1 =	sshll.u32 s1, $0x11  }
0xba: {  	s0 =	sor.u32 s1, s0  }
0xbb: {  	s0 =	sadd.s32 $0x8F2B, s0  }
0xbc: {  	[sflag:s0] =	ssyncadd.remote.s32 $0x1  }
0xbd: {  	_ =	sfence.sel $0xFFFF  }
0xbe: {  	[dreg:$0x0] =	wrdreg $0xFFFFFFFF;
	(pc) =	sbr.abs _section_cstart, $3  }
0xbf: {  	[dreg:$0x1] =	wrdreg $0xFFFFFFFF  }
0xc0: {  	_ =	task.clear_ibuf [dreg:s6], $0x2FFFF;
	_ =	strace $0x9FFFFFFF  }
0xc1: {  	(tm) =	ssettm $0x7FFFFFFF  }
tec
execute0_lowered:
.L_overlay_start_1:
0x0: {  	(tag) =	ssettag $0x1  }
0x1: {  	s1 =	srdreg.scid;
	s0 =	stileid.u32  }
0x2: {  	s5 =	rddreg [dreg:$0x0];
	s2 =	simm.s32 $0x0;
	s8 =	simm.s32 $0x1  }
0x3: {  	s14 =	simm.s32 $0x900;
	s15 =	simm.s32 $0x11980;
	s16 =	simm.s32 $0x0  }
0x4: {  	s11 =	sand.u32 $0x1, s1;
	s3 =	sshll.u32 s0, $0x1;
	s1 =	rddreg [dreg:$0x1]  }
0x5: {  	[smem:$0x7FF] =	sst s2;
	s7 =	sadd.s32 $0x1000, s5;
	s4 =	sadd.s32 $0x3200, s5  }
0x6: {  	s6 =	sor.u32 s11, s3;
	p1 =	seq.s32 s11, $0x1;
	_ =	strace $0x80000047  }
0x7: {  	s10 =	ssub.s32 $0x2, s11;
	s12 =	sshll.u32 s11, $0xB;
	p0 =	seq.s32 s6, $0x0  }
0x8: {  	s3 =	sshll.u32 s6, $0xD;
	s6 =	sshll.u32 s6, $0x4;
	p0 =	por !p0, !p1  }
0x9: {  	s30 =	sshrl.u32 s10, $0x1;
	s9 =	sadd.s32 s3, s5;
	p0 =	por !p0, !p0  }
0xa: {  	s3 =	sadd.s32 $0x3000, s5;
	s13 =	sadd.s32 s6, s5;
	s8 =	simm.s32 @!p0 $0x0  }
0xb: {  	s10 =	ssub.s32 s10, s30;
	s5 =	simm.s32 $0x1;
	s8 =	ssub.s32 s0, s8  }
0xc: {  	p1 =	sne.s32 s11, $0x0;
	s10 =	smax.u32 s10, $0x1;
	s8 =	sshll.u32 s8, $0xC  }
0xd: {  	vm0 =	vmxor vm0, vm0;
	p0 =	seq.s32 s11, $0x0;
	s11 =	simm.s32 $0x10900;
	s31 =	sor.u32 s12, s8  }
0xe: {  	vm2 =	vmmov $0x1;
	v1 =	vlaneseq.u32;
	vm1 =	vmmov vm0;
	s8 =	sshrl.u32 s8, $0x3;
	s12 =	simm.s32 $0x11900;
	s6 =	sshrl.u32 s31, $0x3  }
0xf: {  	v0 =	vand.u32 $0x3, v1;
	v1 =	vmul.u32 $0x20, v1;
	vm1 =	vmneg @p0 vm1;
	s6 =	sadd.s32 s7, s6;
	s7 =	sadd.s32 s8, s7;
	s8 =	sadd.s32 $0x101000, s9  }
0x10: {  	v0 =	vmul.u32 $0x20, v0;
	vm1 =	vmand vm1, vm2;
	vm2 =	vcmask $0x3F3C;
	s9 =	sadd.s32 $0x3400, s13;
	s13 =	simm.s32 $0x880;
	s7 =	sadd.s32 $0x100, s7  }
.LBB2_1:
0x11: {  	[tilespmem:s2], [sflag:$0x1] =	stream.linear.gather [hbm4b:s6+s2], $0x800, $0x38;
	[tilespmem:$0x11A00] =	vst v63  }
0x12: {  	_ =	swait.ge [sflag:s5], $0x800  }
0x13: {  	[sflag:s5] =	ssyncset.done $0x0  }
0x14: {  	[sflag:s5] =	ssyncadd.s32 $0xFFFFF800  }
0x15: {  	[tilespmem:s11], [sflag:$0x1] =	stream.linear.gather [hbm4b:s3+s2], $0x1000, $0x38;
	[tilespmem:$0x11A00] =	vst v63  }
0x16: {  	_ =	swait.ge [sflag:s5], $0x1000  }
0x17: {  	[sflag:s5] =	ssyncset.done $0x0  }
0x18: {  	[sflag:s5] =	ssyncadd.s32 $0xFFFFF000  }
0x19: {  	[tilespmem:s12], [sflag:$0x1] =	stream.linear.gather [hbm4b:s4+s2], $0x80, $0x38;
	[tilespmem:$0x11A00] =	vst v63  }
0x1a: {  	_ =	swait.ge [sflag:s5], $0x80  }
0x1b: {  	[sflag:s5] =	ssyncset.done $0x0  }
0x1c: {  	s17 =	simm.s32 @!p1 $0x0;
	s18 =	simm.s32 @!p1 $0x880;
	[sflag:s5] =	ssyncadd.s32 $0xFFFFFF80  }
0x1d: {  	[tilespmem:s18], [sflag:$0x1] =	stream.linear.gather @!p1 [hbm4b:s7+s17], $0x10, $0x38;
	[tilespmem:$0x11A00] =	vst v63  }
0x1e: {  	s17 =	simm.s32 @!p1 $0x1  }
0x1f: {  	_ =	swait.ge @!p1 [sflag:s17], $0x10  }
0x20: {  	[sflag:s17] =	ssyncset.done @!p1 $0x0  }
0x21: {  	[sflag:s17] =	ssyncadd.s32 @!p1 $0xFFFFFFF0  }
0x22: {  	v2 =	vld.msk [tilespmem:s13+$0x0], $0xffff;
	[tilespmem:s14], [sflag:$0x1] =	stream.linear.gather [hbm4b:s8+s2], $0x10000, $0x38  }
0x23: {  	_ =	swait.ge [sflag:s5], $0x10000  }
0x24: {  	[sflag:s5] =	ssyncset.done $0x0  }
0x25: {  	[sflag:s5] =	ssyncadd.s32 $0xFFFF0000  }
0x26: {  	v4 =	vld [tilespmem:s5+$0xFFFFFFFF];
	_ =	sdelay $0x1  }
0x27: {  	v5 =	vld [tilespmem:s5+$0x0]  }
0x28: {  	v3 =	vmov s2;
	p2 =	por $0x0, $0x0;
	vm3 =	vmmov vm0  }
0x29: {  	v3 =	vshll.u32 v3, $0x5;
	vm3 =	vmneg @p2 vm3  }
0x2a: {  	s30 =	simm.s32 $0x11;
	v3 =	vor.u32 v1, v3;
	vm3 =	vmand vm3, vm2;
	v6 =	vadd.s32 v0, v4  }
0x2b: {  	v3 =	vand.u32 $0xFF80, v3;
	v8 =	vld [tilespmem:s30+$0xFFFFFFFF];
	v2 =	vpsel !p0, $0x1F, v2;
	v7 =	vand.u32 $0xFFFFFF80, v6  }
0x2c: {  	v5 =	vsel vm3, v2, v5;
	v6 =	vand.u32 $0x7F, v6;
	v3 =	vadd.s32 v3, v7  }
0x2d: {  	v5 =	vshll.u32 v5, $0x7;
	v7 =	vor.u32 v6, v3;
	v6 =	vand.u32 $0xFFFFFF80, v4  }
0x2e: {  	s31 =	simm.s32 $0x10;
	v9 =	vld [tilespmem:s30+$0x0];
	v4 =	vand.u32 $0x7F, v4;
	v5 =	vadd.s32 v6, v5  }
0x2f: {  	v10 =	vmov s31;
	v5 =	vor.u32 v4, v5  }
0x30: {  	p2 =	por $0x0, $0x0;
	v10 =	vshll.u32 v10, $0x5;
	s17 =	simm.s32 $0x21;
	vm3 =	vmmov vm0;
	v11 =	vadd.s32 v0, v8  }
0x31: {  	vm3 =	vmneg @p2 vm3;
	v12 =	vand.u32 $0xFFFFFF80, v11;
	v6 =	vld [tilespmem:s17+$0x0];
	v4 =	vor.u32 v1, v10  }
0x32: {  	vm3 =	vmand vm3, vm2;
	v3 =	vimm.f32 $0.0e+00;
	v13 =	vand.u32 $0xFF80, v4;
	v4 =	vld.idx.msk [tilespmem:v7+s14+$0x0], $0xffff  }
0x33: {  	s19 =	simm.s32 $0x30;
	s18 =	simm.s32 $0x20;
	v9 =	vsel vm3, v2, v9;
	v10 =	vand.u32 $0x7F, v11;
	v11 =	vadd.s32 v13, v12;
	v7 =	vld [tilespmem:s17+$0xFFFFFFFF]  }
.LBB2_2:
0x34: {  	p2 =	sne.s32 s19, $0x7F0;
	v10 =	vor.u32 v10, v11;
	v13 =	vand.u32 $0xFFFFFF80, v8;
	v9 =	vshll.u32 v9, $0x7;
	v12 =	vld.idx.msk [tilespmem:v5+s11+$0x0], $0xffff  }
0x35: {  	p3 =	seq.s32 s18, $0x7F0;
	v5 =	vand.u32 $0x7F, v8;
	vm3 =	vmmov vm0;
	v8 =	vadd.s32 v13, v9  }
.Ltmp0:
0x36: {  	v9 =	vmov s18;
	vm3 =	vmneg @p3 vm3;
	s18 =	smov.u32 s19;
	v5 =	vor.u32 v5, v8;
	v11 =	vmovc v6;
	(pc) =	sbr.rel @p2 .LBB2_2-.Ltmp0, $4  }
0x37: {  	s17 =	sadd.s32 $0x10, s17;
	v9 =	vshll.u32 v9, $0x5;
	vm3 =	vmand vm3, vm2  }
0x38: {  	v14 =	vor.u32 v1, v9;
	v3 =	vadd.f32 v4, v3;
	v6 =	vld [tilespmem:s17+$0x0];
	v13 =	vadd.s32 v0, v7;
	v8 =	vmovc v7  }
0x39: {  	v9 =	vsel vm3, v2, v11;
	v14 =	vand.u32 $0xFF80, v14;
	v11 =	vand.u32 $0xFFFFFF80, v13;
	v4 =	vld.idx.msk [tilespmem:v10+s14+$0x0], $0xffff  }
0x3a: {  	s19 =	sadd.s32 $0x10, s19;
	v10 =	vand.u32 $0x7F, v13;
	v3 =	vadd.f32 v12, v3;
	v7 =	vld [tilespmem:s17+$0xFFFFFFFF];
	v11 =	vadd.s32 v14, v11  }
0x3b: {  	_ = 	snop  }
0x3c: {  	v10 =	vor.u32 v10, v11;
	v51 =	vand.u32 $0xFFFFFF80, v8;
	v9 =	vshll.u32 v9, $0x7  }
0x3d: {  	p2 =	seq.s32 s18, $0x7F0;
	v52 =	vand.u32 $0x7F, v8;
	v12 =	vmov s18;
	vm3 =	vmmov vm0  }
0x3e: {  	v9 =	vadd.s32 v51, v9;
	vm3 =	vmneg @p2 vm3;
	v53 =	vshll.u32 v12, $0x5  }
0x3f: {  	v8 =	vor.u32 v52, v9;
	v11 =	vor.u32 v1, v53;
	v54 =	vadd.s32 v0, v7  }
0x40: {  	vm3 =	vmand vm3, vm2;
	v11 =	vand.u32 $0xFF80, v11;
	v55 =	vand.u32 $0xFFFFFF80, v54  }
0x41: {  	v5 =	vld.idx.msk [tilespmem:v5+s11+$0x0], $0xffff;
	v2 =	vsel vm3, v2, v6;
	v56 =	vand.u32 $0x7F, v54;
	v57 =	vadd.s32 v11, v55  }
0x42: {  	v59 =	vld.msk [tilespmem:s2+$0x0], $0xffff;
	v58 =	vand.u32 $0xFFFFFF80, v7;
	v2 =	vshll.u32 v2, $0x7;
	v6 =	vor.u32 v56, v57  }
0x43: {  	v60 =	vand.u32 $0x7F, v7;
	v10 =	vld.idx.msk [tilespmem:v10+s14+$0x0], $0xffff;
	v2 =	vadd.s32 v58, v2  }
0x44: {  	v3 =	vadd.f32 v4, v3;
	v2 =	vor.u32 v60, v2  }
0x45: {  	v61 =	vld.idx.msk [tilespmem:v8+s11+$0x0], $0xffff  }
0x46: {  	v3 =	vadd.f32 v5, v3  }
0x47: {  	v62 =	vld.idx.msk [tilespmem:v6+s14+$0x0], $0xffff  }
0x48: {  	v3 =	vadd.f32 v10, v3  }
0x49: {  	v2 =	vld.idx.msk [tilespmem:v2+s11+$0x0], $0xffff  }
0x4a: {  	v63 =	vld.idx.msk [tilespmem:v59+s12+$0x0], $0xffff;
	v3 =	vadd.f32 v61, v3;
	_ =	sdelay $0x1  }
0x4b: {  	v3 =	vadd.f32 v62, v3;
	_ =	sdelay $0x1  }
0x4c: {  	v2 =	vadd.f32 v2, v3  }
0x4d: {  	v3 =	vnsel vm1, $0x0, v63  }
0x4e: {  	s16 =	sadd.s32 $0x1, s16;
	v2 =	vadd.f32 v3, v2  }
0x4f: {  	p2 =	sne.s32 s16, s10  }
.Ltmp1:
0x50: {  	[tilespmem:$0x11980] =	vst v2;
	(pc) =	sbr.rel @p2 .LBB2_1-.Ltmp1, $4  }
0x51: {  	[hbm4b:s9+s2] =	stream.linear.scatter [tilespmem:s15], [sflag:$0x1], $0x80, $0x38;
	[tilespmem:$0x11A00] =	vst v63  }
0x52: {  	_ =	swait.ge [sflag:s5], $0x80  }
0x53: {  	[sflag:s5] =	ssyncset.done $0x0  }
0x54: {  	[sflag:s5] =	ssyncadd.s32 $0xFFFFFF80  }
0x55: {  	_ =	sfence.sel $0x180000  }
0x56: {  	[bflag:$0x0] =	sbarrier.arrive $0xFFFF  }
0x57: {  	p0 =	sne.s32 s0, $0x0;
	_ =	strace $0x90000047  }
0x58: {  	s0 =	sadd.s32 @!p0 $0x100000, s1;
	[bflag:$0x2] =	sbarrier.arrive $0xFFFF  }
0x59: {  	[sflag:s0] =	ssyncadd.tile.s32 @!p0 $0x1;
	_ =	shalt  }
.Lfunc_end2:
_tile_overlayer_lowered:
.L_overlay_start_2:
0x5a: {  	(tag) =	ssettag $0x2  }
0x5b: {  	s0 =	rddreg [dreg:$0x0];
	s2 =	stileid.u32  }
0x5c: {  	s1 =	rddreg [dreg:$0x1];
	p0 =	sne.s32 s2, $0x0  }
0x5d: {  	s3 =	rddreg [dreg:$0x2];
	[bflag:$0x3] =	sbarrier.arrive $0xFFFF;
	s2 =	simm.s32 @!p0 $0x1C01  }
0x5e: {  	[timem:s3], [sflag:s2] =	dma.local @!p0 [hbm:s0], s1  }
0x5f: {  	s0 =	simm.s32 @!p0 $0x1  }
0x60: {  	_ =	swait.ge @!p0 [sflag:s0], s1  }
0x61: {  	s1 =	ssub.s32 @!p0 $0x0, s1;
	[sflag:s0] =	ssyncset.done @!p0 $0x0  }
0x62: {  	[sflag:s0] =	ssyncadd.s32 @!p0 s1  }
0x63: {  	[bflag:$0x3] =	sbarrier.arrive $0xFFFF  }
0x64: {  	_ =	shalt  }

</sc_bundles>
